<compile_context>
chip_gen: v7x
topology: tpu7x:2x2x1
jax: 0.10.2.dev20260603
libtpu: 0.0.44.dev20260713+nightly
codegen_flags: <defaults>
</compile_context>

<pallas_src>
import functools
import jax
import jax.numpy as jnp
from jax import lax
from jax.experimental import pallas as pl
from jax.experimental.pallas import tpu as pltpu
from jax.experimental.pallas import tpu_sc as plsc

_N = 10000
_D = 128
_K = 4
_NE = 100000
_NP = 10240
_EP = 170000
_NB = 128
_GN = _NP // _NB
_CH = 6800
_NCH = _EP // _CH
_F1 = 256

_CP_SC = pltpu.CompilerParams(needs_layout_passes=False)


@functools.cache
def _mesh():
    return plsc.VectorSubcoreMesh(core_axis_name="c", subcore_axis_name="s")
_HI = jax.lax.Precision.HIGHEST


def _wid():
    return lax.axis_index("s") * 2 + lax.axis_index("c")


def _dot(a, b, dims):
    return lax.dot_general(a, b, (dims, ((), ())),
                           preferred_element_type=jnp.float32, precision=_HI)


_GPT = 1280
_GCH = 128


def _sc_gather(tbl_hbm, idx_hbm, out_hbm, idx_v, rows_v, sem):
    w = _wid()
    base = w * _GPT
    pltpu.sync_copy(idx_hbm.at[pl.ds(base, _GPT)], idx_v)

    def body(c, carry):
        pltpu.async_copy(tbl_hbm.at[idx_v.at[pl.ds(c * _GCH, _GCH)]],
                         rows_v, sem).wait()
        pltpu.sync_copy(rows_v, out_hbm.at[pl.ds(base + c * _GCH, _GCH)])
        return carry

    lax.fori_loop(0, _GPT // _GCH, body, 0)


@jax.jit
def _gather_embeddings(tables, entity_ids):
    idx = (entity_ids.astype(jnp.int32)[None, :]
           + (jnp.arange(_K, dtype=jnp.int32) * _NE)[:, None]).reshape(-1)
    idx = jnp.pad(idx, (0, 32 * _GPT - _K * _N))
    k = functools.partial(
        pl.kernel, mesh=_mesh(), compiler_params=_CP_SC,
        out_type=jax.ShapeDtypeStruct((32 * _GPT, _D), jnp.float32),
        scratch_types=[
            pltpu.VMEM((_GPT,), jnp.int32),
            pltpu.VMEM((_GCH, _D), jnp.float32),
            pltpu.SemaphoreType.DMA,
        ],
    )(_sc_gather)
    rows = k(tables.reshape(_K * _NE, _D), idx)
    emb = rows[:_K * _N].reshape(_K, _N, _D)
    return jnp.pad(emb, ((0, 0), (0, _NP - _N), (0, 0)))




def _edge_loop(src_hbm, dst_hbm, wT_hbm, si_v, di_v, wb_v, xlT_v, acc_v,
               k, h):
    def chunk(c, carry):
        pltpu.sync_copy(src_hbm.at[pl.ds(c * _CH, _CH)], si_v)
        pltpu.sync_copy(dst_hbm.at[pl.ds(c * _CH, _CH)], di_v)
        pltpu.sync_copy(wT_hbm.at[k, h, c], wb_v)

        def vec(jb, carry2):
            base = jb * 80
            svs = [si_v[pl.ds(base + u * 16, 16)] for u in range(5)]
            dvs = [di_v[pl.ds(base + u * 16, 16)] for u in range(5)]
            wvs = [wb_v[pl.ds(base + u * 16, 16)] for u in range(5)]
            for f in range(4):
                fo = f * _NP
                for u in range(5):
                    xv = plsc.load_gather(xlT_v, [svs[u] + fo])
                    plsc.addupdate_scatter(acc_v, [dvs[u] + fo],
                                           wvs[u] * xv)
            return carry2

        lax.fori_loop(0, (_CH // 16) // 5, vec, 0)
        return carry

    lax.fori_loop(0, _NCH, chunk, 0)


def _w_scan(si_v, di_v, es_v, ed_v, wb_v, den_v):
    def vec(jb, carry2):
        base = jb * 80
        svs = [si_v[pl.ds(base + u * 16, 16)] for u in range(5)]
        dvs = [di_v[pl.ds(base + u * 16, 16)] for u in range(5)]
        for u in range(5):
            e = (plsc.load_gather(es_v, [svs[u]])
                 + plsc.load_gather(ed_v, [dvs[u]]))
            wv = jnp.exp(jnp.maximum(e, 0.2 * e))
            wb_v[pl.ds(base + u * 16, 16)] = wv
            plsc.addupdate_scatter(den_v, [dvs[u]], wv)
        return carry2

    lax.fori_loop(0, (_CH // 16) // 5, vec, 0)


def _sc_w1(esd_hbm, src_hbm, dst_hbm, zeros_hbm, wT_hbm, denp_hbm,
           es_v, ed_v, den_v, si_v, di_v, wb_v):
    w = _wid()
    h = w // 4
    q = w % 4
    for k in range(_K):
        pltpu.sync_copy(esd_hbm.at[k, h], es_v)
        pltpu.sync_copy(esd_hbm.at[k, h + 8], ed_v)
        pltpu.sync_copy(zeros_hbm, den_v)

        def chunk(i, carry):
            c = q + 4 * i

            @pl.when(c < _NCH)
            def _():
                pltpu.sync_copy(src_hbm.at[pl.ds(c * _CH, _CH)], si_v)
                pltpu.sync_copy(dst_hbm.at[pl.ds(c * _CH, _CH)], di_v)
                _w_scan(si_v, di_v, es_v, ed_v, wb_v, den_v)
                pltpu.sync_copy(wb_v, wT_hbm.at[k, h, c])
            return carry

        lax.fori_loop(0, 7, chunk, 0)
        pltpu.sync_copy(den_v, denp_hbm.at[k, q, h])


def _sc_w2(esd_hbm, src_hbm, dst_hbm, zeros_hbm, wT_hbm, denp_hbm,
           es_v, ed_v, den_v, si_v, di_v, wb_v):
    w = _wid()

    @pl.when(w < _NCH)
    def _():
        for k in range(_K):
            pltpu.sync_copy(esd_hbm.at[k, 0], es_v)
            pltpu.sync_copy(esd_hbm.at[k, 1], ed_v)
            pltpu.sync_copy(zeros_hbm, den_v)
            pltpu.sync_copy(src_hbm.at[pl.ds(w * _CH, _CH)], si_v)
            pltpu.sync_copy(dst_hbm.at[pl.ds(w * _CH, _CH)], di_v)
            _w_scan(si_v, di_v, es_v, ed_v, wb_v, den_v)
            pltpu.sync_copy(wb_v, wT_hbm.at[k, 0, w])
            pltpu.sync_copy(den_v, denp_hbm.at[k, w])


def _w_call(body, src, dst, esd, nheads, nparts):
    k = functools.partial(
        pl.kernel, mesh=_mesh(), compiler_params=_CP_SC,
        out_type=[
            jax.ShapeDtypeStruct((_K, nheads, _NCH, _CH), jnp.float32),
            jax.ShapeDtypeStruct((_K, nparts, nheads, _NP), jnp.float32)
            if nheads > 1 else
            jax.ShapeDtypeStruct((_K, nparts, _NP), jnp.float32),
        ],
        scratch_types=[
            pltpu.VMEM((_NP,), jnp.float32),
            pltpu.VMEM((_NP,), jnp.float32),
            pltpu.VMEM((_NP,), jnp.float32),
            pltpu.VMEM((_CH,), jnp.int32),
            pltpu.VMEM((_CH,), jnp.int32),
            pltpu.VMEM((_CH,), jnp.float32),
        ],
    )(body)
    zeros = jnp.zeros((_NP,), jnp.float32)
    return k(esd, src, dst, zeros)


def _edge_unit(xlT_hbm, src_hbm, dst_hbm, wT_hbm, zeros_hbm, num_hbm,
               xlT_v, acc_v, si_v, di_v, wb_v, k, f0, h):
    for r in range(4):
        pltpu.sync_copy(xlT_hbm.at[k, f0 + r], xlT_v.at[pl.ds(r * _NP, _NP)])
        pltpu.sync_copy(zeros_hbm, acc_v.at[pl.ds(r * _NP, _NP)])
    _edge_loop(src_hbm, dst_hbm, wT_hbm, si_v, di_v, wb_v, xlT_v, acc_v,
               k, h)
    for r in range(4):
        pltpu.sync_copy(acc_v.at[pl.ds(r * _NP, _NP)], num_hbm.at[k, f0 + r])


def _sc_edge1(xlT_hbm, src_hbm, dst_hbm, wT_hbm, zeros_hbm, num_hbm,
              xlT_v, acc_v, si_v, di_v, wb_v):
    w = _wid()
    for p in range(2):
        f0 = p * 128 + w * 4
        h = f0 // 32
        for k in range(_K):
            _edge_unit(xlT_hbm, src_hbm, dst_hbm, wT_hbm, zeros_hbm,
                       num_hbm, xlT_v, acc_v, si_v, di_v, wb_v, k, f0, h)


def _sc_edge2(xlT_hbm, src_hbm, dst_hbm, wT_hbm, zeros_hbm, num_hbm,
              xlT_v, acc_v, si_v, di_v, wb_v):
    w = _wid()
    f0 = w * 4
    for k in range(_K):
        _edge_unit(xlT_hbm, src_hbm, dst_hbm, wT_hbm, zeros_hbm, num_hbm,
                   xlT_v, acc_v, si_v, di_v, wb_v, k, f0, 0)


def _edge_call(body, f_total, src, dst, xlT, wT):
    k = functools.partial(
        pl.kernel, mesh=_mesh(), compiler_params=_CP_SC,
        out_type=jax.ShapeDtypeStruct((_K, f_total, _NP), jnp.float32),
        scratch_types=[
            pltpu.VMEM((4 * _NP,), jnp.float32),
            pltpu.VMEM((4 * _NP,), jnp.float32),
            pltpu.VMEM((_CH,), jnp.int32),
            pltpu.VMEM((_CH,), jnp.int32),
            pltpu.VMEM((_CH,), jnp.float32),
        ],
    )(body)
    zeros = jnp.zeros((_NP,), jnp.float32)
    return k(xlT, src, dst, wT, zeros)




def _ln_t(x, g, b):
    m = jnp.mean(x, axis=0, keepdims=True)
    v = jnp.mean((x - m) ** 2, axis=0, keepdims=True)
    return (x - m) / jnp.sqrt(v + 1e-5) * g + b


def _elu(x):
    return jnp.where(x > 0, x, jnp.exp(jnp.minimum(x, 0.0)) - 1.0)


def _k2_body(emb_ref, w1_ref, a1_ref, xlT_ref, esd_ref):
    e = emb_ref[0]
    xlT = _dot(w1_ref[0], e, ((0,), (1,)))
    xlT_ref[0] = xlT
    esd_ref[0] = _dot(a1_ref[0], xlT, ((0,), (0,)))


@jax.jit
def _tc_k2(emb, W1, A1):
    return pl.pallas_call(
        _k2_body,
        grid=(_K, _GN),
        in_specs=[
            pl.BlockSpec((1, _NB, _D), lambda k, n: (k, n, 0)),
            pl.BlockSpec((1, _D, _F1), lambda k, n: (k, 0, 0)),
            pl.BlockSpec((1, _F1, 16), lambda k, n: (k, 0, 0)),
        ],
        out_specs=[
            pl.BlockSpec((1, _F1, _NB), lambda k, n: (k, 0, n)),
            pl.BlockSpec((1, 16, _NB), lambda k, n: (k, 0, n)),
        ],
        out_shape=[
            jax.ShapeDtypeStruct((_K, _F1, _NP), jnp.float32),
            jax.ShapeDtypeStruct((_K, 16, _NP), jnp.float32),
        ],
    )(emb, W1, A1)


def _k4_body(num_ref, den_ref, e8_ref, b1_ref, g1_ref, bb1_ref, w2_ref,
             a2_ref, xl2_ref, esd2_ref):
    den = jnp.sum(den_ref[0], axis=0)
    dene = _dot(e8_ref[...], den, ((1,), (0,)))
    o = num_ref[0] / (dene + 1e-16) + b1_ref[0]
    h = _elu(_ln_t(o, g1_ref[0], bb1_ref[0]))
    xl2 = _dot(w2_ref[0], h, ((0,), (0,)))
    xl2_ref[0] = xl2
    esd2_ref[0] = _dot(a2_ref[0], xl2, ((0,), (0,)))


@jax.jit
def _tc_k4(num1, den1, E8, b1c, ln1gc, ln1bc, W2, A2):
    return pl.pallas_call(
        _k4_body,
        grid=(_K, _GN),
        in_specs=[
            pl.BlockSpec((1, _F1, _NB), lambda k, n: (k, 0, n)),
            pl.BlockSpec((1, 4, 8, _NB), lambda k, n: (k, 0, 0, n)),
            pl.BlockSpec((_F1, 8), lambda k, n: (0, 0)),
            pl.BlockSpec((1, _F1, 1), lambda k, n: (k, 0, 0)),
            pl.BlockSpec((1, _F1, 1), lambda k, n: (k, 0, 0)),
            pl.BlockSpec((1, _F1, 1), lambda k, n: (k, 0, 0)),
            pl.BlockSpec((1, _F1, _D), lambda k, n: (k, 0, 0)),
            pl.BlockSpec((1, _D, 16), lambda k, n: (k, 0, 0)),
        ],
        out_specs=[
            pl.BlockSpec((1, _D, _NB), lambda k, n: (k, 0, n)),
            pl.BlockSpec((1, 16, _NB), lambda k, n: (k, 0, n)),
        ],
        out_shape=[
            jax.ShapeDtypeStruct((_K, _D, _NP), jnp.float32),
            jax.ShapeDtypeStruct((_K, 16, _NP), jnp.float32),
        ],
    )(num1, den1, E8, b1c, ln1gc, ln1bc, W2, A2)


def _k6_body(num_ref, den_ref, b2_ref, g2_ref, bb2_ref, pw1_ref, pb1_ref,
             pg_ref, pbb_ref, pw2_ref, pb2_ref, kg_ref, mw_ref, mb_ref,
             gx_ref, gc_ref, gb_ref, s8_ref, fw1_ref, fb1_ref, fg_ref,
             fbb_ref, fw2_ref, fb2_ref, i128_ref, out_ref):
    s8 = s8_ref[...]
    xs = []
    for k in range(_K):
        den = jnp.sum(den_ref[k], axis=0, keepdims=True)
        o2 = num_ref[k] / (den + 1e-16) + b2_ref[k]
        h2 = _elu(_ln_t(o2, g2_ref[k], bb2_ref[k]))
        t = _dot(pw1_ref[k], h2, ((0,), (0,))) + pb1_ref[k]
        t = jnp.maximum(_ln_t(t, pg_ref[k], pbb_ref[k]), 0.0)
        p = _dot(pw2_ref[k], t, ((0,), (0,))) + pb2_ref[k]
        xs.append(p + kg_ref[k])

    def mha(seq, layer):
        qs = [_dot(mw_ref[layer, 0], x, ((0,), (0,))) + mb_ref[layer, 0]
              for x in seq]
        ks = [_dot(mw_ref[layer, 1], x, ((0,), (0,))) + mb_ref[layer, 1]
              for x in seq]
        vs = [_dot(mw_ref[layer, 2], x, ((0,), (0,))) + mb_ref[layer, 2]
              for x in seq]
        outs = []
        for i in range(4):
            sc = [_dot(s8, qs[i] * ks[j], ((0,), (0,))) * 0.25
                  for j in range(4)]
            m = jnp.maximum(jnp.maximum(sc[0], sc[1]),
                            jnp.maximum(sc[2], sc[3]))
            ex = [jnp.exp(s - m) for s in sc]
            tot = ex[0] + ex[1] + ex[2] + ex[3]
            o = sum(_dot(s8, ex[j] / tot, ((1,), (0,))) * vs[j]
                    for j in range(4))
            outs.append(_dot(mw_ref[layer, 3], o, ((0,), (0,)))
                        + mb_ref[layer, 3])
        return outs

    intra = mha(xs, 0)
    cross = mha(intra, 1)
    fused = []
    for s in range(4):
        g = jax.nn.sigmoid(_dot(gx_ref[...], xs[s], ((0,), (0,)))
                           + _dot(gc_ref[...], cross[s], ((0,), (0,)))
                           + gb_ref[...])
        fused.append(g * cross[s] + (1.0 - g) * xs[s])
    fcat = jnp.concatenate(fused, axis=0)
    t = _dot(fw1_ref[...], fcat, ((0,), (0,))) + fb1_ref[...]
    t = jnp.maximum(_ln_t(t, fg_ref[...], fbb_ref[...]), 0.0)
    oT = _dot(fw2_ref[...], t, ((0,), (0,))) + fb2_ref[...]
    out_ref[...] = _dot(oT, i128_ref[...], ((0,), (0,)))


@jax.jit
def _tc_k6(num2, den2, b2c, ln2gc, ln2bc, pw1, pb1c, plngc, plnbc, pw2,
           pb2c, kgc, mha_w, mha_bc, gx, gc, gbc, S8, fw1, fb1c, flngc,
           flnbc, fw2, fb2c, I128):
    full = lambda *shape: pl.BlockSpec(shape, lambda n: (0,) * len(shape))
    return pl.pallas_call(
        _k6_body,
        grid=(_GN,),
        in_specs=[
            pl.BlockSpec((_K, _D, _NB), lambda n: (0, 0, n)),
            pl.BlockSpec((_K, 25, _NB), lambda n: (0, 0, n)),
            full(_K, _D, 1), full(_K, _D, 1), full(_K, _D, 1),
            full(_K, _D, 32), full(_K, 32, 1), full(_K, 32, 1),
            full(_K, 32, 1), full(_K, 32, _D), full(_K, _D, 1),
            full(_K, _D, 1),
            full(2, 4, _D, _D), full(2, 4, _D, 1),
            full(_D, _D), full(_D, _D), full(_D, 1),
            full(_D, 8),
            full(4 * _D, 32), full(32, 1), full(32, 1), full(32, 1),
            full(32, _D), full(_D, 1),
            full(_D, _D),
        ],
        out_specs=pl.BlockSpec((_NB, _D), lambda n: (n, 0)),
        out_shape=jax.ShapeDtypeStruct((_NP, _D), jnp.float32),
    )(num2, den2, b2c, ln2gc, ln2bc, pw1, pb1c, plngc, plnbc, pw2, pb2c,
      kgc, mha_w, mha_bc, gx, gc, gbc, S8, fw1, fb1c, flngc, flnbc, fw2,
      fb2c, I128)




def kernel(entity_ids, edge_index, tables, W1, b1, a1s, a1d, ln1g, ln1b,
           W2, b2, a2s, a2d, ln2g, ln2b, pw1, pb1, plng, plnb, pw2, pb2,
           kg_emb, mha_w, mha_b, gate_w, gate_b, fw1, fb1, flng, flnb,
           fw2, fb2):
    f32 = jnp.float32
    src = jnp.concatenate([edge_index[0].astype(jnp.int32),
                           jnp.arange(_N, dtype=jnp.int32)])
    dst = jnp.concatenate([edge_index[1].astype(jnp.int32),
                           jnp.arange(_N, dtype=jnp.int32)])

    eye8 = jnp.eye(8, dtype=f32)
    A1 = jnp.concatenate([
        (a1s[:, :, :, None] * eye8[:, None, :]).reshape(_K, _F1, 8),
        (a1d[:, :, :, None] * eye8[:, None, :]).reshape(_K, _F1, 8),
    ], axis=2)
    A2 = jnp.zeros((_K, _D, 16), f32)
    A2 = A2.at[:, :, 0].set(a2s[:, 0, :]).at[:, :, 1].set(a2d[:, 0, :])
    E8 = jnp.kron(jnp.eye(8, dtype=f32), jnp.ones((32, 1), f32))
    S8 = jnp.kron(jnp.eye(8, dtype=f32), jnp.ones((16, 1), f32))
    I128 = jnp.eye(_D, dtype=f32)

    col = lambda a: a[..., None]

    emb = _gather_embeddings(tables, entity_ids)

    xl1T, esd1 = _tc_k2(emb, W1, A1)
    wT1, den1 = _w_call(_sc_w1, src, dst, esd1, 8, 4)
    num1 = _edge_call(_sc_edge1, _F1, src, dst, xl1T, wT1)
    xl2T, esd2 = _tc_k4(num1, den1, E8, col(b1), col(ln1g), col(ln1b),
                        W2, A2)
    wT2, den2 = _w_call(_sc_w2, src, dst, esd2, 1, _NCH)
    num2 = _edge_call(_sc_edge2, _D, src, dst, xl2T, wT2)

    o = _tc_k6(num2, den2, col(b2), col(ln2g), col(ln2b),
               pw1, col(pb1), col(plng), col(plnb), pw2, col(pb2),
               col(kg_emb), mha_w, col(mha_b), gate_w[:_D], gate_w[_D:],
               col(gate_b), S8, fw1, col(fb1), col(flng), col(flnb),
               fw2, col(fb2), I128)
    return o[:_N]

# --- scband reference (transcript-rebuilt; emitter-appended) ---
"""Pipeline reference for scband-multi-source-kgfusion-41412074668702 (READ-ONLY COPY).

The authoritative reference and input builder live on the scoring server;
editing this copy changes nothing except your own understanding.
"""

import jax, jax.numpy as jnp
import numpy as np

N = 10000; E = 160000; D = 128; HID = 32; H1 = 8; K = 4; NE = 100000

def _ln(x, g, b):
    m = x.mean(-1, keepdims=True)
    v = ((x - m) ** 2).mean(-1, keepdims=True)
    return (x - m) / jnp.sqrt(v + 1e-5) * g + b

def _gat(x, W, b, a_s, a_d, src, dst, concat):
    H, C = a_s.shape
    xl = (x @ W).reshape(N, H, C)
    e = jax.nn.leaky_relu((xl * a_s).sum(-1)[src] + (xl * a_d).sum(-1)[dst], 0.2)
    m = jax.ops.segment_max(e, dst, num_segments=N)
    m = jnp.where(jnp.isfinite(m), m, 0.0)
    ex = jnp.exp(e - m[dst])
    s = jax.ops.segment_sum(ex, dst, num_segments=N)
    alpha = ex / (s[dst] + 1e-16)
    out = jax.ops.segment_sum(xl[src] * alpha[:, :, None], dst, num_segments=N)
    if concat:
        return out.reshape(N, H * C) + b
    return out.mean(axis=1) + b

def _mha(x, Wq, Wk, Wv, Wo, bq, bk, bv, bo, H=8):
    B, S, Dm = x.shape
    dh = Dm // H
    def sp(t):
        return t.reshape(B, S, H, dh).transpose(0, 2, 1, 3)
    q = sp(x @ Wq + bq); k = sp(x @ Wk + bk); v = sp(x @ Wv + bv)
    a = jax.nn.softmax(q @ k.transpose(0, 1, 3, 2) / jnp.sqrt(jnp.float32(dh)), axis=-1)
    o = (a @ v).transpose(0, 2, 1, 3).reshape(B, S, Dm)
    return o @ Wo + bo

def setup_inputs(seed=0):
    key = jax.random.key(seed)
    ks = jax.random.split(key, 32)
    def nrm(k, shape):
        return jax.random.normal(k, shape, dtype=jnp.float32) * 0.05
    inp = {
        "entity_ids": jax.random.randint(ks[0], (N,), 0, NE),
        "edge_index": jax.random.randint(ks[1], (2, E), 0, N),
        "tables": nrm(ks[2], (K, NE, D)),
        "W1": nrm(ks[3], (K, D, H1 * HID)), "b1": jnp.zeros((K, H1 * HID), jnp.float32),
        "a1s": nrm(ks[4], (K, H1, HID)), "a1d": nrm(ks[5], (K, H1, HID)),
        "ln1g": jnp.ones((K, H1 * HID), jnp.float32), "ln1b": jnp.zeros((K, H1 * HID), jnp.float32),
        "W2": nrm(ks[6], (K, H1 * HID, D)), "b2": jnp.zeros((K, D), jnp.float32),
        "a2s": nrm(ks[7], (K, 1, D)), "a2d": nrm(ks[8], (K, 1, D)),
        "ln2g": jnp.ones((K, D), jnp.float32), "ln2b": jnp.zeros((K, D), jnp.float32),
        "pw1": nrm(ks[9], (K, D, HID)), "pb1": jnp.zeros((K, HID), jnp.float32),
        "plng": jnp.ones((K, HID), jnp.float32), "plnb": jnp.zeros((K, HID), jnp.float32),
        "pw2": nrm(ks[10], (K, HID, D)), "pb2": jnp.zeros((K, D), jnp.float32),
        "kg_emb": nrm(ks[11], (K, D)),
        "mha_w": nrm(ks[12], (2, 4, D, D)), "mha_b": jnp.zeros((2, 4, D), jnp.float32),
        "gate_w": nrm(ks[13], (2 * D, D)), "gate_b": jnp.zeros((D,), jnp.float32),
        "fw1": nrm(ks[14], (K * D, HID)), "fb1": jnp.zeros((HID,), jnp.float32),
        "flng": jnp.ones((HID,), jnp.float32), "flnb": jnp.zeros((HID,), jnp.float32),
        "fw2": nrm(ks[15], (HID, D)), "fb2": jnp.zeros((D,), jnp.float32),
    }
    return inp

def _forward(tables, W1, b1, a1s, a1d, ln1g, ln1b, W2, b2, a2s, a2d, ln2g, ln2b, pw1, pb1, plng, plnb, pw2, pb2, kg_emb, mha_w, mha_b, gate_w, gate_b, fw1, fb1, flng, flnb, fw2, fb2, entity_ids, edge_index):
    loops = jnp.arange(N)
    src = jnp.concatenate([edge_index[0], loops])
    dst = jnp.concatenate([edge_index[1], loops])
    reps = []
    for k in range(K):
        emb = tables[k][entity_ids]
        h = _gat(emb, W1[k], b1[k], a1s[k], a1d[k], src, dst, True)
        h = jax.nn.elu(_ln(h, ln1g[k], ln1b[k]))
        h2 = _gat(h, W2[k], b2[k], a2s[k], a2d[k], src, dst, False)
        h2 = jax.nn.elu(_ln(h2, ln2g[k], ln2b[k]))
        p = jax.nn.relu(_ln(h2 @ pw1[k] + pb1[k], plng[k], plnb[k])) @ pw2[k] + pb2[k]
        reps.append(p + kg_emb[k])
    x = jnp.stack(reps, axis=1)
    intra = _mha(x, mha_w[0, 0], mha_w[0, 1], mha_w[0, 2], mha_w[0, 3], mha_b[0, 0], mha_b[0, 1], mha_b[0, 2], mha_b[0, 3])
    cross = _mha(intra, mha_w[1, 0], mha_w[1, 1], mha_w[1, 2], mha_w[1, 3], mha_b[1, 0], mha_b[1, 1], mha_b[1, 2], mha_b[1, 3])
    gate = jax.nn.sigmoid(jnp.concatenate([x, cross], axis=-1) @ gate_w + gate_b)
    fused = (gate * cross + (1.0 - gate) * x).reshape(N, K * D)
    o = jax.nn.relu(_ln(fused @ fw1 + fb1, flng, flnb)) @ fw2 + fb2
    return o

_FLOAT_NAMES = ["tables", "W1", "b1", "a1s", "a1d", "ln1g", "ln1b", "W2", "b2", "a2s", "a2d", "ln2g", "ln2b", "pw1", "pb1", "plng", "plnb", "pw2", "pb2", "kg_emb", "mha_w", "mha_b", "gate_w", "gate_b", "fw1", "fb1", "flng", "flnb", "fw2", "fb2"]

def reference(entity_ids, edge_index, tables, W1, b1, a1s, a1d, ln1g, ln1b, W2, b2, a2s, a2d, ln2g, ln2b, pw1, pb1, plng, plnb, pw2, pb2, kg_emb, mha_w, mha_b, gate_w, gate_b, fw1, fb1, flng, flnb, fw2, fb2):
    inp = {"entity_ids": entity_ids, "edge_index": edge_index, "tables": tables, "W1": W1, "b1": b1, "a1s": a1s, "a1d": a1d, "ln1g": ln1g, "ln1b": ln1b, "W2": W2, "b2": b2, "a2s": a2s, "a2d": a2d, "ln2g": ln2g, "ln2b": ln2b, "pw1": pw1, "pb1": pb1, "plng": plng, "plnb": plnb, "pw2": pw2, "pb2": pb2, "kg_emb": kg_emb, "mha_w": mha_w, "mha_b": mha_b, "gate_w": gate_w, "gate_b": gate_b, "fw1": fw1, "fb1": fb1, "flng": flng, "flnb": flnb, "fw2": fw2, "fb2": fb2}
    floats = [inp[n] for n in _FLOAT_NAMES]
    return _forward(*floats, inp["entity_ids"], inp["edge_index"])

if __name__ == "__main__":
    import jax
    _d = setup_inputs()
    print(jax.jit(kernel)(*tuple(_d.values())))

</pallas_src>

<mosaic_0001>
#map = affine_map<(d0, d1) -> (0, 0)>
#map1 = affine_map<(d0, d1) -> (0)>
module attributes {stable_mosaic.version = 14 : i64} {
  func.func @_sc_gather(%arg0: i32, %arg1: i32, %arg2: memref<400000x128xf32, #tpu.memory_space<hbm>>, %arg3: memref<40960xi32, #tpu.memory_space<hbm>>, %arg4: memref<40960x128xf32, #tpu.memory_space<hbm>>, %arg5: memref<1280xi32, #tpu.memory_space<vmem>>, %arg6: memref<128x128xf32, #tpu.memory_space<vmem>>, %arg7: memref<!tpu.dma_semaphore, #tpu.memory_space<semaphore_mem>>) attributes {dimension_semantics = [#tpu.dimension_semantics<core_parallel>, #tpu.dimension_semantics<subcore_parallel>], iteration_bounds = array<i64: 2, 16>, scalar_prefetch = 0 : i64, scratch_operands = 3 : i64, tpu.core_type = #tpu.core_type<sc_vector_subcore>, window_params = [{transform_indices = #map}, {transform_indices = #map1}, {transform_indices = #map}]} {
    %mul3A = arith.constant 2 : i32
    %mul3A_0 = arith.muli %arg1, %mul3A : i32
    %add3A = arith.addi %mul3A_0, %arg0 : i32
    %mul3A_1 = arith.constant 1280 : i32
    %mul3A_2 = arith.muli %add3A, %mul3A_1 : i32
    "tpu.region"() ({
      %run_scoped3A = tpu.sem_alloc : memref<!tpu.dma_semaphore, #tpu.memory_space<semaphore_mem>>
      %dma_start3A = tpu.memref_slice %arg3[%mul3A_2] : memref<40960xi32, #tpu.memory_space<hbm>> -> memref<1280xi32, #tpu.memory_space<hbm>>
      %dma_start3A_8 = tpu.memref_slice %arg3[%mul3A_2] : memref<40960xi32, #tpu.memory_space<hbm>> -> memref<1280xi32, #tpu.memory_space<hbm>>
      tpu.enqueue_dma source(%dma_start3A_8 : memref<1280xi32, #tpu.memory_space<hbm>>) target(%arg5 : memref<1280xi32, #tpu.memory_space<vmem>>) target_semaphore(%run_scoped3A : memref<!tpu.dma_semaphore, #tpu.memory_space<semaphore_mem>>)
      %dma_wait3A = tpu.memref_slice %arg3[%mul3A_2] : memref<40960xi32, #tpu.memory_space<hbm>> -> memref<1280xi32, #tpu.memory_space<hbm>>
      %dma_wait3A_9 = tpu.memref_slice %arg3[%mul3A_2] : memref<40960xi32, #tpu.memory_space<hbm>> -> memref<1280xi32, #tpu.memory_space<hbm>>
      tpu.wait_dma2 semaphore(%run_scoped3A : memref<!tpu.dma_semaphore, #tpu.memory_space<semaphore_mem>>) src(%dma_wait3A_9 : memref<1280xi32, #tpu.memory_space<hbm>>) dst(%arg5 : memref<1280xi32, #tpu.memory_space<vmem>>)
      tpu.yield
    }) : () -> ()
    %scan3A = arith.constant 0 : i32
    %scan3A_3 = arith.constant 0 : i32
    %scan3A_4 = arith.constant 10 : i32
    %scan3A_5 = arith.addi %scan3A_3, %scan3A_4 : i32
    %scan3A_6 = arith.constant 1 : i32
    scf.for %scan3A_8 = %scan3A_3 to %scan3A_5 step %scan3A_6  : i32 {
      %mul3A_9 = arith.constant 128 : i32
      %mul3A_10 = arith.muli %scan3A_8, %mul3A_9 : i32
      %dma_start3A = tpu.memref_slice %arg5[%mul3A_10] : memref<1280xi32, #tpu.memory_space<vmem>> -> memref<128xi32, #tpu.memory_space<vmem>>
      %dma_start3A_11 = arith.constant 0 : i32
      %dma_start3A_12 = arith.constant 0 : i32
      %dma_start3A_13 = tpu.memref_slice %arg2[%dma_start3A_11, %dma_start3A_12] : memref<400000x128xf32, #tpu.memory_space<hbm>> -> memref<400000x128xf32, #tpu.memory_space<hbm>>
      tpu.enqueue_indirect_dma source(%dma_start3A_13 : memref<400000x128xf32, #tpu.memory_space<hbm>>) target(%arg6 : memref<128x128xf32, #tpu.memory_space<vmem>>) offsets(%dma_start3A : memref<128xi32, #tpu.memory_space<vmem>>) semaphore(%arg7 : memref<!tpu.dma_semaphore, #tpu.memory_space<semaphore_mem>>)
      %dma_wait3A = tpu.memref_slice %arg5[%mul3A_10] : memref<1280xi32, #tpu.memory_space<vmem>> -> memref<128xi32, #tpu.memory_space<vmem>>
      %dma_wait3A_14 = arith.constant 0 : i32
      %dma_wait3A_15 = arith.constant 0 : i32
      %dma_wait3A_16 = tpu.memref_slice %arg2[%dma_wait3A_14, %dma_wait3A_15] : memref<400000x128xf32, #tpu.memory_space<hbm>> -> memref<400000x128xf32, #tpu.memory_space<hbm>>
      tpu.wait_indirect_dma semaphore(%arg7 : memref<!tpu.dma_semaphore, #tpu.memory_space<semaphore_mem>>) src(%dma_wait3A_16 : memref<400000x128xf32, #tpu.memory_space<hbm>>) dst(%arg6 : memref<128x128xf32, #tpu.memory_space<vmem>>)
      %mul3A_17 = arith.constant 128 : i32
      %mul3A_18 = arith.muli %scan3A_8, %mul3A_17 : i32
      %add3A_19 = arith.addi %mul3A_2, %mul3A_18 : i32
      "tpu.region"() ({
        %run_scoped3A = tpu.sem_alloc : memref<!tpu.dma_semaphore, #tpu.memory_space<semaphore_mem>>
        %dma_start3A_20 = arith.constant 0 : i32
        %dma_start3A_21 = tpu.memref_slice %arg4[%add3A_19, %dma_start3A_20] : memref<40960x128xf32, #tpu.memory_space<hbm>> -> memref<128x128xf32, #tpu.memory_space<hbm>>
        %dma_start3A_22 = arith.constant 0 : i32
        %dma_start3A_23 = tpu.memref_slice %arg4[%add3A_19, %dma_start3A_22] : memref<40960x128xf32, #tpu.memory_space<hbm>> -> memref<128x128xf32, #tpu.memory_space<hbm>>
        tpu.enqueue_dma source(%arg6 : memref<128x128xf32, #tpu.memory_space<vmem>>) target(%dma_start3A_23 : memref<128x128xf32, #tpu.memory_space<hbm>>) target_semaphore(%run_scoped3A : memref<!tpu.dma_semaphore, #tpu.memory_space<semaphore_mem>>)
        %dma_wait3A_24 = arith.constant 0 : i32
        %dma_wait3A_25 = tpu.memref_slice %arg4[%add3A_19, %dma_wait3A_24] : memref<40960x128xf32, #tpu.memory_space<hbm>> -> memref<128x128xf32, #tpu.memory_space<hbm>>
        %dma_wait3A_26 = arith.constant 0 : i32
        %dma_wait3A_27 = tpu.memref_slice %arg4[%add3A_19, %dma_wait3A_26] : memref<40960x128xf32, #tpu.memory_space<hbm>> -> memref<128x128xf32, #tpu.memory_space<hbm>>
        tpu.wait_dma2 semaphore(%run_scoped3A : memref<!tpu.dma_semaphore, #tpu.memory_space<semaphore_mem>>) src(%arg6 : memref<128x128xf32, #tpu.memory_space<vmem>>) dst(%dma_wait3A_27 : memref<128x128xf32, #tpu.memory_space<hbm>>)
        tpu.yield
      }) : () -> ()
    }
    %scan3A_7 = arith.constant 10 : i32
    return
  }
}

</mosaic_0001>

<sc_bundles>
// kernel: _gather_embeddings.3.cloned.1.call-start
scs
__scs_entry_jumppad:
0x0: {  	(pc) =	sbr.rel $0x88, $3  }
0x1: {  	(tag) =	ssettag $0x0;
	lr =	simm.s32 $0x1  }
0x2: {  	[smem:$0x3F9F] =	sst lr;
	_ =	strace $0xD0000000  }
0x3: {  	_ = 	snop  }
0x4: {  	_ = 	snop  }
0x5: {  	_ = 	snop  }
0x6: {  	_ = 	snop  }
0x7: {  	_ = 	snop  }
__scs_overlays_trampoline_lowered:
0x8: {  	[smem:$0x3FAE] =	sst s0  }
0x9: {  	[smem:$0x3FAF] =	sst s1  }
0xa: {  	[smem:$0x3FB0] =	sst s2  }
0xb: {  	[smem:$0x3FB1] =	sst s3  }
0xc: {  	[smem:$0x3FB2] =	sst s4  }
0xd: {  	[smem:$0x3FB3] =	sst s5  }
0xe: {  	[smem:$0x3FB4] =	sst s6  }
0xf: {  	[smem:$0x3FB5] =	sst s7  }
0x10: {  	[smem:$0x3FB6] =	sst s8  }
0x11: {  	[smem:$0x3FB7] =	sst s9;
	s0 =	simm.s32 @!p0 $0x0  }
0x12: {  	s1 =	sld [smem:$0x3F9D];
	s0 =	simm.s32 @p0 $0x1  }
0x13: {  	[smem:$0x3FB8] =	sst s0;
	s0 =	simm.s32 @!p1 $0x0  }
0x14: {  	s2 =	sld [smem:$0x3F9C];
	s0 =	simm.s32 @p1 $0x1  }
0x15: {  	[smem:$0x3FB9] =	sst s0;
	s0 =	simm.s32 @!p2 $0x0  }
0x16: {  	s3 =	sld [smem:$0x3FDB];
	s0 =	simm.s32 @p2 $0x1  }
0x17: {  	s4 =	simm.s32 $0x1BF5;
	[smem:$0x3FBB] =	sst s0  }
0x18: {  	s0 =	sld [smem:$0x3F9E];
	_ =	swait.ge [sflag:s4], $0x0  }
0x19: {  	s7 =	sld [smem:$0x3F9F]  }
0x1a: {  	s8 =	sadd.s32 $0xFFFFE003, lr  }
0x1b: {  	s9 =	sadd.s32 $0xFFFFFEF7, lr;
	s5 =	simm.s32 $0xFFFFFFFF;
	p2 =	slt.u32 s8, $0xFFFFF086  }
0x1c: {  	p1 =	slt.u32 s9, $0xF7A;
	s5 =	simm.s32 @!p2 $0x0  }
0x1d: {  	s5 =	simm.s32 @p1 $0x1;
	p0 =	seq.s32 s7, s2  }
0x1e: {  	s7 =	smul.u32 @!p0 $0xF7A, s2;
	p2 =	seq.s32 @!p0 s5, $0x0  }
0x1f: {  	s9 =	smul.u32 $0xF7A, s1;
	s8 =	simm.s32 @!p0 $0x1BF5;
	p2 =	por !p2, p0  }
0x20: {  	[sflag:s8] =	ssyncset.s32 @!p0 $0xFFFFF086;
	s6 =	sadd.s32 @!p0 s3, s7;
	s7 =	simm.s32 @!p0 $0x108  }
0x21: {  	s3 =	sadd.s32 s3, s9;
	s6 =	sadd.s32 @!p0 $0x88, s6;
	s7 =	simm.s32 @p2 $0x1082  }
0x22: {  	[simem:s7], [sflag:s8] =	dma.local @!p0 [hbm:s6], $0xF7A  }
0x23: {  	s9 =	sor.u32 $0xD0000000, s2;
	s6 =	simm.s32 $0x108;
	_ =	swait.ge @!p0 [sflag:s8], $0x0  }
0x24: {  	s3 =	sadd.s32 $0x88, s3;
	s6 =	simm.s32 @!p1 $0x1082;
	[sflag:s4] =	ssyncset.s32 $0xFFFFF086  }
0x25: {  	[simem:s6], [sflag:s4] =	dma.local [hbm:s3], $0xF7A  }
0x26: {  	[smem:$0x3F9F] =	sst s1;
	(tag) =	ssettag s2;
	_ =	strace s9  }
0x27: {  	s1 =	sld [smem:$0x3FAF]  }
0x28: {  	s2 =	sld [smem:$0x3FB0]  }
0x29: {  	s4 =	sld [smem:$0x3FB2]  }
0x2a: {  	p0 =	seq.s32 s5, $0x0;
	s5 =	sld [smem:$0x3FB3]  }
0x2b: {  	s6 =	sld [smem:$0x3FB4]  }
0x2c: {  	s7 =	sld [smem:$0x3FB5]  }
0x2d: {  	s3 =	simm.s32 $0x108;
	s8 =	sld [smem:$0x3FB6]  }
0x2e: {  	s3 =	simm.s32 @!p0 $0x1082;
	s9 =	sld [smem:$0x3FB7]  }
0x2f: {  	lr =	sadd.s32 s0, s3;
	s0 =	sld [smem:$0x3FAE]  }
0x30: {  	s3 =	sld [smem:$0x3FB1]  }
0x31: {  	[smem:$0x3FBA] =	sst s10  }
0x32: {  	s10 =	sld [smem:$0x3FB8];
	_ =	sdelay $0x3  }
0x33: {  	p0 =	seq.s32 s10, $0x1;
	s10 =	sld [smem:$0x3FBA];
	_ =	sdelay $0x3  }
0x34: {  	[smem:$0x3FBA] =	sst s10  }
0x35: {  	s10 =	sld [smem:$0x3FB9];
	_ =	sdelay $0x3  }
0x36: {  	p1 =	seq.s32 s10, $0x1;
	s10 =	sld [smem:$0x3FBA];
	_ =	sdelay $0x3  }
0x37: {  	[smem:$0x3FBA] =	sst s10  }
0x38: {  	s10 =	sld [smem:$0x3FBB]  }
0x39: {  	_ = 	snop;
	(pc) =	sbr.ind lr, $3  }
0x3a: {  	_ = 	snop  }
0x3b: {  	_ = 	snop  }
0x3c: {  	p2 =	seq.s32 s10, $0x1;
	s10 =	sld [smem:$0x3FBA]  }
0x3d: {  	_ =	shalt  }
0x3e: {  	_ =	shalt  }
0x3f: {  	_ =	shalt  }
0x40: {  	_ =	shalt  }
0x41: {  	_ =	shalt  }
0x42: {  	_ =	shalt  }
0x43: {  	_ =	shalt  }
0x44: {  	_ =	shalt  }
0x45: {  	_ =	shalt  }
0x46: {  	_ =	shalt  }
0x47: {  	_ =	shalt  }
0x48: {  	_ =	shalt  }
0x49: {  	_ =	shalt  }
0x4a: {  	_ =	shalt  }
0x4b: {  	_ =	shalt  }
0x4c: {  	_ =	shalt  }
0x4d: {  	_ =	shalt  }
0x4e: {  	_ =	shalt  }
0x4f: {  	_ =	shalt  }
0x50: {  	_ =	shalt  }
0x51: {  	_ =	shalt  }
0x52: {  	_ =	shalt  }
0x53: {  	_ =	shalt  }
0x54: {  	_ =	shalt  }
0x55: {  	_ =	shalt  }
0x56: {  	_ =	shalt  }
0x57: {  	_ =	shalt  }
0x58: {  	_ =	shalt  }
0x59: {  	_ =	shalt  }
0x5a: {  	_ =	shalt  }
0x5b: {  	_ =	shalt  }
0x5c: {  	_ =	shalt  }
0x5d: {  	_ =	shalt  }
0x5e: {  	_ =	shalt  }
0x5f: {  	_ =	shalt  }
0x60: {  	_ =	shalt  }
0x61: {  	_ =	shalt  }
0x62: {  	_ =	shalt  }
0x63: {  	_ =	shalt  }
0x64: {  	_ =	shalt  }
0x65: {  	_ =	shalt  }
0x66: {  	_ =	shalt  }
0x67: {  	_ =	shalt  }
0x68: {  	_ =	shalt  }
0x69: {  	_ =	shalt  }
0x6a: {  	_ =	shalt  }
0x6b: {  	_ =	shalt  }
0x6c: {  	_ =	shalt  }
0x6d: {  	_ =	shalt  }
0x6e: {  	_ =	shalt  }
0x6f: {  	_ =	shalt  }
0x70: {  	_ =	shalt  }
0x71: {  	_ =	shalt  }
0x72: {  	_ =	shalt  }
0x73: {  	_ =	shalt  }
0x74: {  	_ =	shalt  }
0x75: {  	_ =	shalt  }
0x76: {  	_ =	shalt  }
0x77: {  	_ =	shalt  }
0x78: {  	_ =	shalt  }
0x79: {  	_ =	shalt  }
0x7a: {  	_ =	shalt  }
0x7b: {  	_ =	shalt  }
0x7c: {  	_ =	shalt  }
0x7d: {  	_ =	shalt  }
0x7e: {  	_ =	shalt  }
0x7f: {  	_ =	shalt  }
0x80: {  	_ =	shalt  }
0x81: {  	_ =	shalt  }
0x82: {  	_ =	shalt  }
0x83: {  	_ =	shalt  }
0x84: {  	_ =	shalt  }
0x85: {  	_ =	shalt  }
0x86: {  	_ =	shalt  }
0x87: {  	_ =	shalt  }
.Lfunc_end0:
.L_simem_size_0:
called_computation_lowered:
.L_overlay_start_0:
0x88: {  	s2 =	sld [smem:$0x3FD9]  }
0x89: {  	s3 =	sld [smem:$0x3FFE];
	_ =	sdelay $0x1  }
0x8a: {  	s1 =	srdreg.scid  }
0x8b: {  	s0 =	sand.u32 $0x1, s1  }
0x8c: {  	s17 =	sshll.u32 s0, $0xA;
	s2 =	sadd.s32 s3, s2  }
0x8d: {  	s2 =	sadd.s32 s2, s17  }
0x8e: {  	[smem:$0x3FC6] =	sst s2  }
0x8f: {  	_ = 	snop  }
0x90: {  	s2 =	sld [smem:$0x3FC9]  }
0x91: {  	s18 =	sld [smem:$0x3FD0];
	(tm) =	ssettm $0x1  }
0x92: {  	s4 =	sld [smem:$0x3FFB];
	_ =	sdelay $0x3  }
0x93: {  	_ =	strace s4  }
0x94: {  	s4 =	sld [smem:$0x3FFC];
	_ =	sdelay $0x3  }
0x95: {  	_ =	strace s4  }
0x96: {  	s4 =	sld [smem:$0x3FFD];
	_ =	sdelay $0x3  }
0x97: {  	_ =	strace s4  }
0x98: {  	_ =	strace $0x8FFFFFFF  }
0x99: {  	s19 =	sld [smem:$0x3FDB];
	_ =	sdelay $0x1  }
0x9a: {  	s5 =	simm.s32 $_scs_section_size  }
0x9b: {  	s6 =	simm.s32 $_size__tile_overlayer_lowered;
	s7 =	simm.s32 $_tile_overlayer_lowered  }
0x9c: {  	s22 =	simm.s32 $0x1BFF;
	s21 =	sshll.u32 s7, $0x1;
	s4 =	sadd.s32 s5, s19  }
0x9d: {  	s8 =	simm.s32 $0x0;
	s20 =	sshll.u32 s6, $0x1;
	s6 =	sadd.s32 s21, s4  }
0x9e: {  	[timem:s8], [sflag:s22] =	dma.local [hbm:s6], s20  }
0x9f: {  	_ =	swait.ge [sflag:s22], s20  }
0xa0: {  	s5 =	ssub.s32 $0x0, s20;
	[sflag:s22] =	ssyncset.done $0x0  }
0xa1: {  	[sflag:s22] =	ssyncadd.s32 s5;
	_ =	sdelay $0x1  }
0xa2: {  	s23 =	simm.s32 $0x1B8B  }
0xa3: {  	_ =	swait.ge [sflag:s23], $0x1  }
0xa4: {  	[sflag:s23] =	ssyncset.done $0x0  }
0xa5: {  	s25 =	simm.s32 $0x1B8E;
	s24 =	sld [smem:$0x3FFE];
	[sflag:s23] =	ssyncadd.s32 $0xFFFFFFFF  }
0xa6: {  	s26 =	simm.s32 $execute0_lowered;
	[smem:$0x3FD2] =	sst s25  }
0xa7: {  	s6 =	sshll.u32 s26, $0x1;
	_ =	strace $0x80000046;
	[dreg:$0x1] =	wrdreg $0xFFFFFFFF  }
0xa8: {  	s28 =	simm.s32 $_size_execute0_lowered;
	s4 =	sadd.s32 s4, s6;
	[dreg:$0x0] =	wrdreg $0x0  }
0xa9: {  	s6 =	sshll.u32 s28, $0x1;
	[dreg:$0x2] =	wrdreg s4  }
0xaa: {  	[dreg:$0x3] =	wrdreg s6  }
0xab: {  	[dreg:$0x4] =	wrdreg $0xC0  }
0xac: {  	_ =	task [dreg:s8], $0x5FFFF  }
0xad: {  	[dreg:$0x1] =	wrdreg $0xFFFFFFFF  }
0xae: {  	[dreg:$0x0] =	wrdreg $0x60  }
0xaf: {  	[dreg:$0x2] =	wrdreg s2  }
0xb0: {  	[dreg:$0x3] =	wrdreg s24  }
0xb1: {  	[dreg:$0x4] =	wrdreg s18  }
0xb2: {  	[dreg:$0x5] =	wrdreg $0x9  }
0xb3: {  	_ =	task.clear_ibuf [dreg:s8], $0x6FFFF;
	_ =	strace $0x90000046  }
0xb4: {  	s29 =	simm.s32 $0x9;
	_ =	strace $0x80000048  }
0xb5: {  	_ =	swait.ge [sflag:s29], $0x1  }
0xb6: {  	[sflag:s29] =	ssyncadd.s32 $0xFFFFFFFF  }
0xb7: {  	_ =	strace $0x90000048  }
0xb8: {  	_ =	sfence  }
0xb9: {  	s30 =	sld [smem:$0x0];
	_ =	sdelay $0x2  }
0xba: {  	s31 =	sshll.u32 s1, $0xD;
	s1 =	sshrl.u32 s1, $0x2  }
0xbb: {  	s3 =	sand.u32 $0x4000, s31;
	s1 =	sadd.s32 s1, s30  }
0xbc: {  	s0 =	sor.u32 s3, s0;
	s1 =	sshll.u32 s1, $0x11  }
0xbd: {  	s0 =	sor.u32 s1, s0  }
0xbe: {  	s0 =	sadd.s32 $0x8F2B, s0  }
0xbf: {  	[sflag:s0] =	ssyncadd.remote.s32 $0x1  }
0xc0: {  	_ =	sfence.sel $0xFFFF  }
0xc1: {  	[dreg:$0x0] =	wrdreg $0xFFFFFFFF;
	(pc) =	sbr.abs _section_cstart, $3  }
0xc2: {  	[dreg:$0x1] =	wrdreg $0xFFFFFFFF  }
0xc3: {  	_ =	task.clear_ibuf [dreg:s8], $0x2FFFF;
	_ =	strace $0x9FFFFFFF  }
0xc4: {  	(tm) =	ssettm $0x7FFFFFFF  }
0xc5: {  	_ =	shalt  }
tec
execute0_lowered:
.L_overlay_start_1:
0x0: {  	(tag) =	ssettag $0x1  }
0x1: {  	s1 =	srdreg.scid;
	s0 =	stileid.u32  }
0x2: {  	s2 =	rddreg [dreg:$0x0];
	s25 =	sand.u32 $0x1, s1;
	s31 =	sshll.u32 s0, $0x1  }
0x3: {  	s4 =	rddreg [dreg:$0x1];
	s6 =	sor.u32 s25, s31  }
0x4: {  	s9 =	rddreg [dreg:$0x2];
	s5 =	smul.u32 $0xA0, s6  }
0x5: {  	s3 =	simm.s32 $0x0;
	s1 =	rddreg [dreg:$0x3]  }
0x6: {  	[smem:$0x7FF] =	sst s3;
	s4 =	sadd.s32 s5, s4  }
0x7: {  	_ =	strace $0x80000047;
	s5 =	sadd.s32 $0x800, s4;
	s4 =	simm.s32 $0x2  }
0x8: {  	[tilespmem:s3], [sflag:$0x2] =	stream.linear.gather [hbm4b:s5+s3], $0x500, $0x38;
	[tilespmem:$0x4500] =	vst v63  }
0x9: {  	_ =	swait.ge [sflag:s4], $0x500  }
0xa: {  	s7 =	simm.s32 $0x500;
	s8 =	simm.s32 $0x1;
	[sflag:s4] =	ssyncset.done $0x0  }
0xb: {  	s10 =	smul.u32 $0x28000, s6;
	s6 =	simm.s32 $0x80;
	[sflag:s4] =	ssyncadd.s32 $0xFFFFFB00  }
0xc: {  	[tilespmem:s7], [sflag:$0x1] =	stream.indirect.gather [hbm4b:s2+s6], $0x80, s3, s6, $0xb8;
	[tilespmem:$0x4500] =	vst v63  }
0xd: {  	_ =	swait.ge [sflag:s8], $0x4000  }
0xe: {  	s10 =	sshrl.u32 s10, $0x3;
	[sflag:s8] =	ssyncset.done $0x0  }
0xf: {  	s9 =	sadd.s32 s9, s10;
	[sflag:s8] =	ssyncadd.s32 $0xFFFFC000  }
0x10: {  	[hbm4b:s9+s3] =	stream.linear.scatter [tilespmem:s7], [sflag:$0x2], $0x4000, $0x38;
	[tilespmem:$0x4500] =	vst v63  }
0x11: {  	_ =	swait.ge [sflag:s4], $0x4000  }
0x12: {  	[sflag:s4] =	ssyncset.done $0x0  }
0x13: {  	[sflag:s4] =	ssyncadd.s32 $0xFFFFC000  }
0x14: {  	[tilespmem:s7], [sflag:$0x1] =	stream.indirect.gather [hbm4b:s2+s6], $0x80, s6, s6, $0xb8;
	[tilespmem:$0x4500] =	vst v63  }
0x15: {  	_ =	swait.ge [sflag:s8], $0x4000  }
0x16: {  	[sflag:s8] =	ssyncset.done $0x0  }
0x17: {  	s10 =	sadd.s32 $0x800, s9;
	[sflag:s8] =	ssyncadd.s32 $0xFFFFC000  }
0x18: {  	[hbm4b:s10+s3] =	stream.linear.scatter [tilespmem:s7], [sflag:$0x2], $0x4000, $0x38;
	[tilespmem:$0x4500] =	vst v63  }
0x19: {  	_ =	swait.ge [sflag:s4], $0x4000  }
0x1a: {  	[sflag:s4] =	ssyncset.done $0x0  }
0x1b: {  	s11 =	simm.s32 $0x100;
	[sflag:s4] =	ssyncadd.s32 $0xFFFFC000  }
0x1c: {  	[tilespmem:s7], [sflag:$0x1] =	stream.indirect.gather [hbm4b:s2+s6], $0x80, s11, s6, $0xb8;
	[tilespmem:$0x4500] =	vst v63  }
0x1d: {  	_ =	swait.ge [sflag:s8], $0x4000  }
0x1e: {  	[sflag:s8] =	ssyncset.done $0x0  }
0x1f: {  	s12 =	sadd.s32 $0x1000, s9;
	[sflag:s8] =	ssyncadd.s32 $0xFFFFC000  }
0x20: {  	[hbm4b:s12+s3] =	stream.linear.scatter [tilespmem:s7], [sflag:$0x2], $0x4000, $0x38;
	[tilespmem:$0x4500] =	vst v63  }
0x21: {  	_ =	swait.ge [sflag:s4], $0x4000  }
0x22: {  	[sflag:s4] =	ssyncset.done $0x0  }
0x23: {  	s13 =	simm.s32 $0x180;
	[sflag:s4] =	ssyncadd.s32 $0xFFFFC000  }
0x24: {  	[tilespmem:s7], [sflag:$0x1] =	stream.indirect.gather [hbm4b:s2+s6], $0x80, s13, s6, $0xb8;
	[tilespmem:$0x4500] =	vst v63  }
0x25: {  	_ =	swait.ge [sflag:s8], $0x4000  }
0x26: {  	[sflag:s8] =	ssyncset.done $0x0  }
0x27: {  	s14 =	sadd.s32 $0x1800, s9;
	[sflag:s8] =	ssyncadd.s32 $0xFFFFC000  }
0x28: {  	[hbm4b:s14+s3] =	stream.linear.scatter [tilespmem:s7], [sflag:$0x2], $0x4000, $0x38;
	[tilespmem:$0x4500] =	vst v63  }
0x29: {  	_ =	swait.ge [sflag:s4], $0x4000  }
0x2a: {  	[sflag:s4] =	ssyncset.done $0x0  }
0x2b: {  	s15 =	simm.s32 $0x200;
	[sflag:s4] =	ssyncadd.s32 $0xFFFFC000  }
0x2c: {  	[tilespmem:s7], [sflag:$0x1] =	stream.indirect.gather [hbm4b:s2+s6], $0x80, s15, s6, $0xb8;
	[tilespmem:$0x4500] =	vst v63  }
0x2d: {  	_ =	swait.ge [sflag:s8], $0x4000  }
0x2e: {  	[sflag:s8] =	ssyncset.done $0x0  }
0x2f: {  	s16 =	sadd.s32 $0x2000, s9;
	[sflag:s8] =	ssyncadd.s32 $0xFFFFC000  }
0x30: {  	[hbm4b:s16+s3] =	stream.linear.scatter [tilespmem:s7], [sflag:$0x2], $0x4000, $0x38;
	[tilespmem:$0x4500] =	vst v63  }
0x31: {  	_ =	swait.ge [sflag:s4], $0x4000  }
0x32: {  	[sflag:s4] =	ssyncset.done $0x0  }
0x33: {  	s17 =	simm.s32 $0x280;
	[sflag:s4] =	ssyncadd.s32 $0xFFFFC000  }
0x34: {  	[tilespmem:s7], [sflag:$0x1] =	stream.indirect.gather [hbm4b:s2+s6], $0x80, s17, s6, $0xb8;
	[tilespmem:$0x4500] =	vst v63  }
0x35: {  	_ =	swait.ge [sflag:s8], $0x4000  }
0x36: {  	[sflag:s8] =	ssyncset.done $0x0  }
0x37: {  	s18 =	sadd.s32 $0x2800, s9;
	[sflag:s8] =	ssyncadd.s32 $0xFFFFC000  }
0x38: {  	[hbm4b:s18+s3] =	stream.linear.scatter [tilespmem:s7], [sflag:$0x2], $0x4000, $0x38;
	[tilespmem:$0x4500] =	vst v63  }
0x39: {  	_ =	swait.ge [sflag:s4], $0x4000  }
0x3a: {  	[sflag:s4] =	ssyncset.done $0x0  }
0x3b: {  	s19 =	simm.s32 $0x300;
	[sflag:s4] =	ssyncadd.s32 $0xFFFFC000  }
0x3c: {  	[tilespmem:s7], [sflag:$0x1] =	stream.indirect.gather [hbm4b:s2+s6], $0x80, s19, s6, $0xb8;
	[tilespmem:$0x4500] =	vst v63  }
0x3d: {  	_ =	swait.ge [sflag:s8], $0x4000  }
0x3e: {  	[sflag:s8] =	ssyncset.done $0x0  }
0x3f: {  	s20 =	sadd.s32 $0x3000, s9;
	[sflag:s8] =	ssyncadd.s32 $0xFFFFC000  }
0x40: {  	[hbm4b:s20+s3] =	stream.linear.scatter [tilespmem:s7], [sflag:$0x2], $0x4000, $0x38;
	[tilespmem:$0x4500] =	vst v63  }
0x41: {  	_ =	swait.ge [sflag:s4], $0x4000  }
0x42: {  	[sflag:s4] =	ssyncset.done $0x0  }
0x43: {  	s21 =	simm.s32 $0x380;
	[sflag:s4] =	ssyncadd.s32 $0xFFFFC000  }
0x44: {  	[tilespmem:s7], [sflag:$0x1] =	stream.indirect.gather [hbm4b:s2+s6], $0x80, s21, s6, $0xb8;
	[tilespmem:$0x4500] =	vst v63  }
0x45: {  	_ =	swait.ge [sflag:s8], $0x4000  }
0x46: {  	[sflag:s8] =	ssyncset.done $0x0  }
0x47: {  	s22 =	sadd.s32 $0x3800, s9;
	[sflag:s8] =	ssyncadd.s32 $0xFFFFC000  }
0x48: {  	[hbm4b:s22+s3] =	stream.linear.scatter [tilespmem:s7], [sflag:$0x2], $0x4000, $0x38;
	[tilespmem:$0x4500] =	vst v63  }
0x49: {  	_ =	swait.ge [sflag:s4], $0x4000  }
0x4a: {  	[sflag:s4] =	ssyncset.done $0x0  }
0x4b: {  	s23 =	simm.s32 $0x400;
	[sflag:s4] =	ssyncadd.s32 $0xFFFFC000  }
0x4c: {  	[tilespmem:s7], [sflag:$0x1] =	stream.indirect.gather [hbm4b:s2+s6], $0x80, s23, s6, $0xb8;
	[tilespmem:$0x4500] =	vst v63  }
0x4d: {  	_ =	swait.ge [sflag:s8], $0x4000  }
0x4e: {  	[sflag:s8] =	ssyncset.done $0x0  }
0x4f: {  	s26 =	ssub.s32 $0x2, s25;
	s24 =	sadd.s32 $0x4000, s9;
	[sflag:s8] =	ssyncadd.s32 $0xFFFFC000  }
0x50: {  	[hbm4b:s24+s3] =	stream.linear.scatter [tilespmem:s7], [sflag:$0x2], $0x4000, $0x38;
	[tilespmem:$0x4500] =	vst v63  }
0x51: {  	s28 =	sshrl.u32 s26, $0x1;
	_ =	swait.ge [sflag:s4], $0x4000  }
0x52: {  	s26 =	ssub.s32 s26, s28;
	[sflag:s4] =	ssyncset.done $0x0  }
0x53: {  	s25 =	simm.s32 $0x480;
	s28 =	smax.u32 s26, $0x1;
	[sflag:s4] =	ssyncadd.s32 $0xFFFFC000  }
0x54: {  	[tilespmem:s7], [sflag:$0x1] =	stream.indirect.gather [hbm4b:s2+s6], $0x80, s25, s6, $0xb8;
	[tilespmem:$0x4500] =	vst v63  }
0x55: {  	p0 =	sne.s32 s28, $0x1;
	_ =	swait.ge [sflag:s8], $0x4000  }
.Ltmp0:
0x56: {  	[sflag:s8] =	ssyncset.done $0x0;
	(pc) =	sbr.rel @!p0 .LBB2_2-.Ltmp0, $4  }
0x57: {  	s26 =	sadd.s32 $0x4800, s9;
	[sflag:s8] =	ssyncadd.s32 $0xFFFFC000  }
0x58: {  	[hbm4b:s26+s3] =	stream.linear.scatter [tilespmem:s7], [sflag:$0x2], $0x4000, $0x38;
	[tilespmem:$0x4500] =	vst v63  }
0x59: {  	_ =	swait.ge [sflag:s4], $0x4000  }
0x5a: {  	s28 =	sadd.s32 $0xFFFFFFFF, s28;
	[sflag:s4] =	ssyncset.done $0x0  }
.LBB2_1:
0x5b: {  	p0 =	sne.s32 s28, $0x1;
	s28 =	sadd.s32 $0xFFFFFFFF, s28;
	[sflag:s4] =	ssyncadd.s32 $0xFFFFC000  }
0x5c: {  	[tilespmem:s3], [sflag:$0x2] =	stream.linear.gather [hbm4b:s5+s3], $0x500, $0x38;
	[tilespmem:$0x4500] =	vst v63  }
0x5d: {  	_ =	swait.ge [sflag:s4], $0x500  }
0x5e: {  	[sflag:s4] =	ssyncset.done $0x0  }
0x5f: {  	[sflag:s4] =	ssyncadd.s32 $0xFFFFFB00  }
0x60: {  	[tilespmem:s7], [sflag:$0x1] =	stream.indirect.gather [hbm4b:s2+s6], $0x80, s3, s6, $0xb8;
	[tilespmem:$0x4500] =	vst v63  }
0x61: {  	_ =	swait.ge [sflag:s8], $0x4000  }
0x62: {  	[sflag:s8] =	ssyncset.done $0x0  }
0x63: {  	[sflag:s8] =	ssyncadd.s32 $0xFFFFC000  }
0x64: {  	[hbm4b:s9+s3] =	stream.linear.scatter [tilespmem:s7], [sflag:$0x2], $0x4000, $0x38;
	[tilespmem:$0x4500] =	vst v63  }
0x65: {  	_ =	swait.ge [sflag:s4], $0x4000  }
0x66: {  	[sflag:s4] =	ssyncset.done $0x0  }
0x67: {  	[sflag:s4] =	ssyncadd.s32 $0xFFFFC000  }
0x68: {  	[tilespmem:s7], [sflag:$0x1] =	stream.indirect.gather [hbm4b:s2+s6], $0x80, s6, s6, $0xb8;
	[tilespmem:$0x4500] =	vst v63  }
0x69: {  	_ =	swait.ge [sflag:s8], $0x4000  }
0x6a: {  	[sflag:s8] =	ssyncset.done $0x0  }
0x6b: {  	[sflag:s8] =	ssyncadd.s32 $0xFFFFC000  }
0x6c: {  	[hbm4b:s10+s3] =	stream.linear.scatter [tilespmem:s7], [sflag:$0x2], $0x4000, $0x38;
	[tilespmem:$0x4500] =	vst v63  }
0x6d: {  	_ =	swait.ge [sflag:s4], $0x4000  }
0x6e: {  	[sflag:s4] =	ssyncset.done $0x0  }
0x6f: {  	[sflag:s4] =	ssyncadd.s32 $0xFFFFC000  }
0x70: {  	[tilespmem:s7], [sflag:$0x1] =	stream.indirect.gather [hbm4b:s2+s6], $0x80, s11, s6, $0xb8;
	[tilespmem:$0x4500] =	vst v63  }
0x71: {  	_ =	swait.ge [sflag:s8], $0x4000  }
0x72: {  	[sflag:s8] =	ssyncset.done $0x0  }
0x73: {  	[sflag:s8] =	ssyncadd.s32 $0xFFFFC000  }
0x74: {  	[hbm4b:s12+s3] =	stream.linear.scatter [tilespmem:s7], [sflag:$0x2], $0x4000, $0x38;
	[tilespmem:$0x4500] =	vst v63  }
0x75: {  	_ =	swait.ge [sflag:s4], $0x4000  }
0x76: {  	[sflag:s4] =	ssyncset.done $0x0  }
0x77: {  	[sflag:s4] =	ssyncadd.s32 $0xFFFFC000  }
0x78: {  	[tilespmem:s7], [sflag:$0x1] =	stream.indirect.gather [hbm4b:s2+s6], $0x80, s13, s6, $0xb8;
	[tilespmem:$0x4500] =	vst v63  }
0x79: {  	_ =	swait.ge [sflag:s8], $0x4000  }
0x7a: {  	[sflag:s8] =	ssyncset.done $0x0  }
0x7b: {  	[sflag:s8] =	ssyncadd.s32 $0xFFFFC000  }
0x7c: {  	[hbm4b:s14+s3] =	stream.linear.scatter [tilespmem:s7], [sflag:$0x2], $0x4000, $0x38;
	[tilespmem:$0x4500] =	vst v63  }
0x7d: {  	_ =	swait.ge [sflag:s4], $0x4000  }
0x7e: {  	[sflag:s4] =	ssyncset.done $0x0  }
0x7f: {  	[sflag:s4] =	ssyncadd.s32 $0xFFFFC000  }
0x80: {  	[tilespmem:s7], [sflag:$0x1] =	stream.indirect.gather [hbm4b:s2+s6], $0x80, s15, s6, $0xb8;
	[tilespmem:$0x4500] =	vst v63  }
0x81: {  	_ =	swait.ge [sflag:s8], $0x4000  }
0x82: {  	[sflag:s8] =	ssyncset.done $0x0  }
0x83: {  	[sflag:s8] =	ssyncadd.s32 $0xFFFFC000  }
0x84: {  	[hbm4b:s16+s3] =	stream.linear.scatter [tilespmem:s7], [sflag:$0x2], $0x4000, $0x38;
	[tilespmem:$0x4500] =	vst v63  }
0x85: {  	_ =	swait.ge [sflag:s4], $0x4000  }
0x86: {  	[sflag:s4] =	ssyncset.done $0x0  }
0x87: {  	[sflag:s4] =	ssyncadd.s32 $0xFFFFC000  }
0x88: {  	[tilespmem:s7], [sflag:$0x1] =	stream.indirect.gather [hbm4b:s2+s6], $0x80, s17, s6, $0xb8;
	[tilespmem:$0x4500] =	vst v63  }
0x89: {  	_ =	swait.ge [sflag:s8], $0x4000  }
0x8a: {  	[sflag:s8] =	ssyncset.done $0x0  }
0x8b: {  	[sflag:s8] =	ssyncadd.s32 $0xFFFFC000  }
0x8c: {  	[hbm4b:s18+s3] =	stream.linear.scatter [tilespmem:s7], [sflag:$0x2], $0x4000, $0x38;
	[tilespmem:$0x4500] =	vst v63  }
0x8d: {  	_ =	swait.ge [sflag:s4], $0x4000  }
0x8e: {  	[sflag:s4] =	ssyncset.done $0x0  }
0x8f: {  	[sflag:s4] =	ssyncadd.s32 $0xFFFFC000  }
0x90: {  	[tilespmem:s7], [sflag:$0x1] =	stream.indirect.gather [hbm4b:s2+s6], $0x80, s19, s6, $0xb8;
	[tilespmem:$0x4500] =	vst v63  }
0x91: {  	_ =	swait.ge [sflag:s8], $0x4000  }
0x92: {  	[sflag:s8] =	ssyncset.done $0x0  }
0x93: {  	[sflag:s8] =	ssyncadd.s32 $0xFFFFC000  }
0x94: {  	[hbm4b:s20+s3] =	stream.linear.scatter [tilespmem:s7], [sflag:$0x2], $0x4000, $0x38;
	[tilespmem:$0x4500] =	vst v63  }
0x95: {  	_ =	swait.ge [sflag:s4], $0x4000  }
0x96: {  	[sflag:s4] =	ssyncset.done $0x0  }
0x97: {  	[sflag:s4] =	ssyncadd.s32 $0xFFFFC000  }
0x98: {  	[tilespmem:s7], [sflag:$0x1] =	stream.indirect.gather [hbm4b:s2+s6], $0x80, s21, s6, $0xb8;
	[tilespmem:$0x4500] =	vst v63  }
0x99: {  	_ =	swait.ge [sflag:s8], $0x4000  }
0x9a: {  	[sflag:s8] =	ssyncset.done $0x0  }
0x9b: {  	[sflag:s8] =	ssyncadd.s32 $0xFFFFC000  }
0x9c: {  	[hbm4b:s22+s3] =	stream.linear.scatter [tilespmem:s7], [sflag:$0x2], $0x4000, $0x38;
	[tilespmem:$0x4500] =	vst v63  }
0x9d: {  	_ =	swait.ge [sflag:s4], $0x4000  }
0x9e: {  	[sflag:s4] =	ssyncset.done $0x0  }
0x9f: {  	[sflag:s4] =	ssyncadd.s32 $0xFFFFC000  }
0xa0: {  	[tilespmem:s7], [sflag:$0x1] =	stream.indirect.gather [hbm4b:s2+s6], $0x80, s23, s6, $0xb8;
	[tilespmem:$0x4500] =	vst v63  }
0xa1: {  	_ =	swait.ge [sflag:s8], $0x4000  }
0xa2: {  	[sflag:s8] =	ssyncset.done $0x0  }
0xa3: {  	[sflag:s8] =	ssyncadd.s32 $0xFFFFC000  }
0xa4: {  	[hbm4b:s24+s3] =	stream.linear.scatter [tilespmem:s7], [sflag:$0x2], $0x4000, $0x38;
	[tilespmem:$0x4500] =	vst v63  }
0xa5: {  	_ =	swait.ge [sflag:s4], $0x4000  }
0xa6: {  	[sflag:s4] =	ssyncset.done $0x0  }
0xa7: {  	[sflag:s4] =	ssyncadd.s32 $0xFFFFC000  }
0xa8: {  	[tilespmem:s7], [sflag:$0x1] =	stream.indirect.gather [hbm4b:s2+s6], $0x80, s25, s6, $0xb8;
	[tilespmem:$0x4500] =	vst v63  }
0xa9: {  	_ =	swait.ge [sflag:s8], $0x4000  }
.Ltmp1:
0xaa: {  	[sflag:s8] =	ssyncset.done $0x0;
	(pc) =	sbr.rel @p0 .LBB2_1-.Ltmp1, $4  }
0xab: {  	[sflag:s8] =	ssyncadd.s32 $0xFFFFC000  }
0xac: {  	[hbm4b:s26+s3] =	stream.linear.scatter [tilespmem:s7], [sflag:$0x2], $0x4000, $0x38;
	[tilespmem:$0x4500] =	vst v63  }
0xad: {  	_ =	swait.ge [sflag:s4], $0x4000  }
0xae: {  	[sflag:s4] =	ssyncset.done $0x0  }
.LBB2_2:
0xaf: {  	[sflag:s4] =	ssyncadd.s32 $0xFFFFC000  }
0xb0: {  	_ =	sfence.sel $0x180000  }
0xb1: {  	[bflag:$0x0] =	sbarrier.arrive $0xFFFF  }
0xb2: {  	p0 =	sne.s32 s0, $0x0;
	_ =	strace $0x90000047  }
0xb3: {  	s0 =	sadd.s32 @!p0 $0x100000, s1;
	[bflag:$0x2] =	sbarrier.arrive $0xFFFF  }
0xb4: {  	[sflag:s0] =	ssyncadd.tile.s32 @!p0 $0x1;
	_ =	shalt  }
.Lfunc_end2:
_tile_overlayer_lowered:
.L_overlay_start_2:
0xb5: {  	(tag) =	ssettag $0x2  }
0xb6: {  	s0 =	rddreg [dreg:$0x0];
	s2 =	stileid.u32  }
0xb7: {  	s1 =	rddreg [dreg:$0x1];
	p0 =	sne.s32 s2, $0x0  }
0xb8: {  	s3 =	rddreg [dreg:$0x2];
	[bflag:$0x3] =	sbarrier.arrive $0xFFFF;
	s2 =	simm.s32 @!p0 $0x1C02  }
0xb9: {  	[timem:s3], [sflag:s2] =	dma.local @!p0 [hbm:s0], s1  }
0xba: {  	s0 =	simm.s32 @!p0 $0x2  }
0xbb: {  	_ =	swait.ge @!p0 [sflag:s0], s1  }
0xbc: {  	s1 =	ssub.s32 @!p0 $0x0, s1;
	[sflag:s0] =	ssyncset.done @!p0 $0x0  }
0xbd: {  	[sflag:s0] =	ssyncadd.s32 @!p0 s1  }
0xbe: {  	[bflag:$0x3] =	sbarrier.arrive $0xFFFF  }
0xbf: {  	_ =	shalt  }

</sc_bundles>
